<compile_context>
chip_gen: v7x
topology: tpu7x:2x2x1
jax: 0.10.2.dev20260603
libtpu: 0.0.44.dev20260713+nightly
codegen_flags: <defaults>
</compile_context>

<pallas_src>
import functools

import jax
import jax.numpy as jnp
from jax import lax
from jax.experimental import pallas as pl
from jax.experimental.pallas import tpu as pltpu
from jax.experimental.pallas import tpu_sc as plsc

NUM_NODES = 65536
NHID = 128
EDIM = 1024
B = 128


def _sc_gather_kernel(desc_idx_hbm, tweet_idx_hbm, gb_hbm, p_hbm, desc_hbm,
                      tweet_hbm, e_out, pg_out,
                      probe_v, prows_v, didx_v, drows_v, tidx_v, trows_v,
                      sem_a, sem_b):
    cid = lax.axis_index("c")
    sid = lax.axis_index("s")
    wid = sid * 2 + cid

    @pl.when(wid >= 16)
    def _desc_gather():
        j = wid - 16
        pltpu.sync_copy(desc_idx_hbm.at[j], didx_v)
        pltpu.async_copy(desc_hbm.at[didx_v], drows_v, sem_a).wait()
        pltpu.sync_copy(drows_v, e_out.at[pl.ds(j * 16, 16)])

    @pl.when(wid < 16)
    def _search_and_gather():
        pltpu.sync_copy(tweet_idx_hbm.at[wid], tidx_v)
        tweet_copy = pltpu.make_async_copy(tweet_hbm.at[tidx_v], trows_v,
                                           sem_b)
        tweet_copy.start()

        base_id = (wid & 7) * 16
        add_one = wid >> 3
        b_ids = base_id + lax.broadcasted_iota(jnp.int32, (16,), 0)
        lo0 = jnp.zeros((16,), jnp.int32)
        hi0 = jnp.full((16,), NUM_NODES, jnp.int32)

        def body(_, carry):
            lo, hi = carry
            mid = (lo + hi) >> 1
            pltpu.async_copy(gb_hbm.at[mid], probe_v, sem_a).wait()
            pred = probe_v[...] < b_ids
            return jnp.where(pred, mid + 1, lo), jnp.where(pred, hi, mid)

        lo, _ = lax.fori_loop(0, 16, body, (lo0, hi0))
        idx16 = jnp.minimum(lo + add_one, NUM_NODES - 1)

        pltpu.async_copy(p_hbm.at[idx16], prows_v, sem_a).wait()
        pltpu.sync_copy(prows_v, pg_out.at[pl.ds(wid * 16, 16)])

        tweet_copy.wait()
        pltpu.sync_copy(trows_v, e_out.at[pl.ds(256 + wid * 8, 8)])


def _sc_gather(desc_idx, tweet_idx, graph_batch, p_feature, desc_table,
               tweet_table):
    mesh = plsc.VectorSubcoreMesh(core_axis_name="c", subcore_axis_name="s")
    f = pl.kernel(
        _sc_gather_kernel,
        mesh=mesh,
        out_type=[
            jax.ShapeDtypeStruct((3 * B, EDIM), jnp.float32),
            jax.ShapeDtypeStruct((2 * B, NHID), jnp.float32),
        ],
        scratch_types=[
            pltpu.VMEM((16,), jnp.int32),
            pltpu.VMEM((16, NHID), jnp.float32),
            pltpu.VMEM((16,), jnp.int32),
            pltpu.VMEM((16, EDIM), jnp.float32),
            pltpu.VMEM((8,), jnp.int32),
            pltpu.VMEM((8, EDIM), jnp.float32),
            pltpu.SemaphoreType.DMA,
            pltpu.SemaphoreType.DMA,
        ],
    )
    return f(desc_idx, tweet_idx, graph_batch, p_feature, desc_table,
             tweet_table)


def _dense_body(e_ref, pg_ref, wt_ref, bt_ref, w1_ref, b1_ref, g_ref, be_ref,
                w2_ref, b2_ref, out_ref):
    t = jnp.dot(e_ref[...], wt_ref[...],
                preferred_element_type=jnp.float32) + bt_ref[...]
    t_d0 = t[0:128]
    t_d2 = t[128:256]
    t_tw = t[256:384]
    u = pg_ref[0:128]
    v = pg_ref[128:256]
    x = jnp.concatenate([u + t_d0, t_tw, v + t_d2], axis=1)
    h = jnp.dot(x, w1_ref[...],
                preferred_element_type=jnp.float32) + b1_ref[...]
    mean = jnp.mean(h, axis=0, keepdims=True)
    var = jnp.mean(jnp.square(h - mean), axis=0, keepdims=True)
    hn = (h - mean) * lax.rsqrt(var + 1e-5) * g_ref[...] + be_ref[...]
    hr = jnp.maximum(hn, 0.0)
    o = jnp.sum(hr * w2_ref[...], axis=1, keepdims=True) + b2_ref[...]
    out_ref[...] = 1.0 / (1.0 + jnp.exp(-o))


def _dense(e, pg, w_t, b_t, w1, b1, gamma, beta, w2, b2):
    return pl.pallas_call(
        _dense_body,
        out_shape=jax.ShapeDtypeStruct((B, 1), jnp.float32),
    )(e, pg, w_t, b_t.reshape(1, NHID), w1, b1.reshape(1, 256),
      gamma.reshape(1, 256), beta.reshape(1, 256), w2.reshape(1, 256),
      b2.reshape(1, 1))


def kernel(sample, graph_batch, p_feature, desc_table, tweet_table,
           W_t, b_t, W1, b1, gamma, beta, W2, b2):
    desc_idx = jnp.concatenate([sample[:, 0], sample[:, 2]]).reshape(16, 16)
    tweet_idx = sample[:, 1].reshape(16, 8)
    e, pg = _sc_gather(desc_idx, tweet_idx, graph_batch, p_feature,
                       desc_table, tweet_table)
    return _dense(e, pg, W_t, b_t, W1, b1, gamma, beta, W2, b2)

# --- scband reference (transcript-rebuilt; emitter-appended) ---
"""Pipeline reference for scband-model-88115549045023 (READ-ONLY COPY).

The authoritative reference and input builder live on the scoring server;
editing this copy changes nothing except your own understanding.
"""

import jax, jax.numpy as jnp
import numpy as np

NUM_NODES = 65536
NHID = 128
VOCAB = 100000
EDIM = 1024
B = 128


def setup_inputs(seed: int = 0) -> dict:
    key = jax.random.key(seed)
    ks = jax.random.split(key, 12)
    sample = jax.random.randint(ks[0], (B, 3), 0, VOCAB, dtype=jnp.int32)
    # graph.batch: sorted batch-assignment vector covering every id 0..B-1
    graph_batch = (jnp.arange(NUM_NODES, dtype=jnp.int32) * B) // NUM_NODES
    p_feature = jax.random.normal(ks[1], (NUM_NODES, NHID), dtype=jnp.float32)
    desc_table = jax.random.normal(ks[2], (VOCAB, EDIM), dtype=jnp.float32) * 0.02
    tweet_table = jax.random.normal(ks[3], (VOCAB, EDIM), dtype=jnp.float32) * 0.02
    W_t = jax.random.normal(ks[4], (EDIM, NHID), dtype=jnp.float32) * 0.02
    b_t = jnp.zeros((NHID,), dtype=jnp.float32)
    W1 = jax.random.normal(ks[5], (NHID * 3, 256), dtype=jnp.float32) * 0.05
    b1 = jnp.zeros((256,), dtype=jnp.float32)
    gamma = jnp.ones((256,), dtype=jnp.float32)
    beta = jnp.zeros((256,), dtype=jnp.float32)
    W2 = jax.random.normal(ks[6], (256, 1), dtype=jnp.float32) * 0.05
    b2 = jnp.zeros((1,), dtype=jnp.float32)
    return {
        'sample': sample, 'graph_batch': graph_batch, 'p_feature': p_feature,
        'desc_table': desc_table, 'tweet_table': tweet_table,
        'W_t': W_t, 'b_t': b_t, 'W1': W1, 'b1': b1,
        'gamma': gamma, 'beta': beta, 'W2': W2, 'b2': b2,
    }


def reference(sample, graph_batch, p_feature, desc_table, tweet_table,
              W_t, b_t, W1, b1, gamma, beta, W2, b2):
    n = min(128, sample.shape[0])
    # torch.nonzero(graph.batch == i)[0] -> first index where batch id == i
    u_idx = jnp.stack([jnp.argmax(graph_batch == i) for i in range(n)])
    v_idx = u_idx + 1
    u_feat = p_feature[u_idx]
    v_feat = p_feature[v_idx]

    def t_linear(e):
        return e @ W_t + b_t

    d0 = t_linear(jnp.take(desc_table, sample[:, 0], axis=0))
    tw = t_linear(jnp.take(tweet_table, sample[:, 1], axis=0))
    d2 = t_linear(jnp.take(desc_table, sample[:, 2], axis=0))

    x = jnp.concatenate([u_feat + d0, tw, v_feat + d2], axis=1)
    h = x @ W1 + b1
    # BatchNorm1d with batch statistics (training-mode math), dropout = identity
    mean = jnp.mean(h, axis=0)
    var = jnp.var(h, axis=0)
    h = (h - mean) / jnp.sqrt(var + 1e-5) * gamma + beta
    h = jax.nn.relu(h)
    out = jax.nn.sigmoid(h @ W2 + b2)
    return out

if __name__ == "__main__":
    import jax
    _d = setup_inputs()
    print(jax.jit(kernel)(*tuple(_d.values())))

</pallas_src>

<mosaic_0001>
#map = affine_map<(d0, d1) -> (0, 0)>
#map1 = affine_map<(d0, d1) -> (0)>
module attributes {stable_mosaic.version = 14 : i64} {
  func.func @_sc_gather_kernel(%arg0: i32, %arg1: i32, %arg2: memref<16x16xi32, #tpu.memory_space<hbm>>, %arg3: memref<16x8xi32, #tpu.memory_space<hbm>>, %arg4: memref<65536xi32, #tpu.memory_space<hbm>>, %arg5: memref<65536x128xf32, #tpu.memory_space<hbm>>, %arg6: memref<100000x1024xf32, #tpu.memory_space<hbm>>, %arg7: memref<100000x1024xf32, #tpu.memory_space<hbm>>, %arg8: memref<384x1024xf32, #tpu.memory_space<hbm>>, %arg9: memref<256x128xf32, #tpu.memory_space<hbm>>, %arg10: memref<16xi32, #tpu.memory_space<vmem>>, %arg11: memref<16x128xf32, #tpu.memory_space<vmem>>, %arg12: memref<16xi32, #tpu.memory_space<vmem>>, %arg13: memref<16x1024xf32, #tpu.memory_space<vmem>>, %arg14: memref<8xi32, #tpu.memory_space<vmem>>, %arg15: memref<8x1024xf32, #tpu.memory_space<vmem>>, %arg16: memref<!tpu.dma_semaphore, #tpu.memory_space<semaphore_mem>>, %arg17: memref<!tpu.dma_semaphore, #tpu.memory_space<semaphore_mem>>) attributes {dimension_semantics = [#tpu.dimension_semantics<core_parallel>, #tpu.dimension_semantics<subcore_parallel>], iteration_bounds = array<i64: 2, 16>, scalar_prefetch = 0 : i64, scratch_operands = 8 : i64, tpu.core_type = #tpu.core_type<sc_vector_subcore>, window_params = [{transform_indices = #map}, {transform_indices = #map}, {transform_indices = #map1}, {transform_indices = #map}, {transform_indices = #map}, {transform_indices = #map}, {transform_indices = #map}, {transform_indices = #map}]} {
    %mul3A = arith.constant 2 : i32
    %mul3A_0 = arith.muli %arg1, %mul3A : i32
    %add3A = arith.addi %mul3A_0, %arg0 : i32
    %ge3A = arith.constant 16 : i32
    %ge3A_1 = arith.cmpi sge, %add3A, %ge3A : i32
    %convert_element_type3A = arith.extui %ge3A_1 : i1 to i32
    %cond3A = arith.constant 0 : i32
    %cond3A_2 = arith.cmpi ne, %convert_element_type3A, %cond3A : i32
    scf.if %cond3A_2 {
      %sub3A = arith.constant 16 : i32
      %sub3A_7 = arith.subi %add3A, %sub3A : i32
      "tpu.region"() ({
        %run_scoped3A = tpu.sem_alloc : memref<!tpu.dma_semaphore, #tpu.memory_space<semaphore_mem>>
        %dma_start3A_14 = arith.constant 0 : i32
        %dma_start3A_15 = tpu.memref_slice %arg2[%sub3A_7, %dma_start3A_14] : memref<16x16xi32, #tpu.memory_space<hbm>> -> memref<1x16xi32, #tpu.memory_space<hbm>>
        %dma_start3A_16 = tpu.memref_squeeze %dma_start3A_15 : memref<1x16xi32, #tpu.memory_space<hbm>> -> memref<16xi32, #tpu.memory_space<hbm>>
        %dma_start3A_17 = arith.constant 0 : i32
        %dma_start3A_18 = tpu.memref_slice %arg2[%sub3A_7, %dma_start3A_17] : memref<16x16xi32, #tpu.memory_space<hbm>> -> memref<1x16xi32, #tpu.memory_space<hbm>>
        %dma_start3A_19 = tpu.memref_squeeze %dma_start3A_18 : memref<1x16xi32, #tpu.memory_space<hbm>> -> memref<16xi32, #tpu.memory_space<hbm>>
        tpu.enqueue_dma source(%dma_start3A_19 : memref<16xi32, #tpu.memory_space<hbm>>) target(%arg12 : memref<16xi32, #tpu.memory_space<vmem>>) target_semaphore(%run_scoped3A : memref<!tpu.dma_semaphore, #tpu.memory_space<semaphore_mem>>)
        %dma_wait3A_20 = arith.constant 0 : i32
        %dma_wait3A_21 = tpu.memref_slice %arg2[%sub3A_7, %dma_wait3A_20] : memref<16x16xi32, #tpu.memory_space<hbm>> -> memref<1x16xi32, #tpu.memory_space<hbm>>
        %dma_wait3A_22 = tpu.memref_squeeze %dma_wait3A_21 : memref<1x16xi32, #tpu.memory_space<hbm>> -> memref<16xi32, #tpu.memory_space<hbm>>
        %dma_wait3A_23 = arith.constant 0 : i32
        %dma_wait3A_24 = tpu.memref_slice %arg2[%sub3A_7, %dma_wait3A_23] : memref<16x16xi32, #tpu.memory_space<hbm>> -> memref<1x16xi32, #tpu.memory_space<hbm>>
        %dma_wait3A_25 = tpu.memref_squeeze %dma_wait3A_24 : memref<1x16xi32, #tpu.memory_space<hbm>> -> memref<16xi32, #tpu.memory_space<hbm>>
        tpu.wait_dma2 semaphore(%run_scoped3A : memref<!tpu.dma_semaphore, #tpu.memory_space<semaphore_mem>>) src(%dma_wait3A_25 : memref<16xi32, #tpu.memory_space<hbm>>) dst(%arg12 : memref<16xi32, #tpu.memory_space<vmem>>)
        tpu.yield
      }) : () -> ()
      %dma_start3A = arith.constant 0 : i32
      %dma_start3A_8 = arith.constant 0 : i32
      %dma_start3A_9 = tpu.memref_slice %arg6[%dma_start3A, %dma_start3A_8] : memref<100000x1024xf32, #tpu.memory_space<hbm>> -> memref<100000x1024xf32, #tpu.memory_space<hbm>>
      tpu.enqueue_indirect_dma source(%dma_start3A_9 : memref<100000x1024xf32, #tpu.memory_space<hbm>>) target(%arg13 : memref<16x1024xf32, #tpu.memory_space<vmem>>) offsets(%arg12 : memref<16xi32, #tpu.memory_space<vmem>>) semaphore(%arg16 : memref<!tpu.dma_semaphore, #tpu.memory_space<semaphore_mem>>)
      %dma_wait3A = arith.constant 0 : i32
      %dma_wait3A_10 = arith.constant 0 : i32
      %dma_wait3A_11 = tpu.memref_slice %arg6[%dma_wait3A, %dma_wait3A_10] : memref<100000x1024xf32, #tpu.memory_space<hbm>> -> memref<100000x1024xf32, #tpu.memory_space<hbm>>
      tpu.wait_indirect_dma semaphore(%arg16 : memref<!tpu.dma_semaphore, #tpu.memory_space<semaphore_mem>>) src(%dma_wait3A_11 : memref<100000x1024xf32, #tpu.memory_space<hbm>>) dst(%arg13 : memref<16x1024xf32, #tpu.memory_space<vmem>>)
      %mul3A_12 = arith.constant 16 : i32
      %mul3A_13 = arith.muli %sub3A_7, %mul3A_12 : i32
      "tpu.region"() ({
        %run_scoped3A = tpu.sem_alloc : memref<!tpu.dma_semaphore, #tpu.memory_space<semaphore_mem>>
        %dma_start3A_14 = arith.constant 0 : i32
        %dma_start3A_15 = tpu.memref_slice %arg8[%mul3A_13, %dma_start3A_14] : memref<384x1024xf32, #tpu.memory_space<hbm>> -> memref<16x1024xf32, #tpu.memory_space<hbm>>
        %dma_start3A_16 = arith.constant 0 : i32
        %dma_start3A_17 = tpu.memref_slice %arg8[%mul3A_13, %dma_start3A_16] : memref<384x1024xf32, #tpu.memory_space<hbm>> -> memref<16x1024xf32, #tpu.memory_space<hbm>>
        tpu.enqueue_dma source(%arg13 : memref<16x1024xf32, #tpu.memory_space<vmem>>) target(%dma_start3A_17 : memref<16x1024xf32, #tpu.memory_space<hbm>>) target_semaphore(%run_scoped3A : memref<!tpu.dma_semaphore, #tpu.memory_space<semaphore_mem>>)
        %dma_wait3A_18 = arith.constant 0 : i32
        %dma_wait3A_19 = tpu.memref_slice %arg8[%mul3A_13, %dma_wait3A_18] : memref<384x1024xf32, #tpu.memory_space<hbm>> -> memref<16x1024xf32, #tpu.memory_space<hbm>>
        %dma_wait3A_20 = arith.constant 0 : i32
        %dma_wait3A_21 = tpu.memref_slice %arg8[%mul3A_13, %dma_wait3A_20] : memref<384x1024xf32, #tpu.memory_space<hbm>> -> memref<16x1024xf32, #tpu.memory_space<hbm>>
        tpu.wait_dma2 semaphore(%run_scoped3A : memref<!tpu.dma_semaphore, #tpu.memory_space<semaphore_mem>>) src(%arg13 : memref<16x1024xf32, #tpu.memory_space<vmem>>) dst(%dma_wait3A_21 : memref<16x1024xf32, #tpu.memory_space<hbm>>)
        tpu.yield
      }) : () -> ()
    } else {
    }
    %lt3A = arith.constant 16 : i32
    %lt3A_3 = arith.cmpi slt, %add3A, %lt3A : i32
    %convert_element_type3A_4 = arith.extui %lt3A_3 : i1 to i32
    %cond3A_5 = arith.constant 0 : i32
    %cond3A_6 = arith.cmpi ne, %convert_element_type3A_4, %cond3A_5 : i32
    scf.if %cond3A_6 {
      "tpu.region"() ({
        %run_scoped3A = tpu.sem_alloc : memref<!tpu.dma_semaphore, #tpu.memory_space<semaphore_mem>>
        %dma_start3A_41 = arith.constant 0 : i32
        %dma_start3A_42 = tpu.memref_slice %arg3[%add3A, %dma_start3A_41] : memref<16x8xi32, #tpu.memory_space<hbm>> -> memref<1x8xi32, #tpu.memory_space<hbm>>
        %dma_start3A_43 = tpu.memref_squeeze %dma_start3A_42 : memref<1x8xi32, #tpu.memory_space<hbm>> -> memref<8xi32, #tpu.memory_space<hbm>>
        %dma_start3A_44 = arith.constant 0 : i32
        %dma_start3A_45 = tpu.memref_slice %arg3[%add3A, %dma_start3A_44] : memref<16x8xi32, #tpu.memory_space<hbm>> -> memref<1x8xi32, #tpu.memory_space<hbm>>
        %dma_start3A_46 = tpu.memref_squeeze %dma_start3A_45 : memref<1x8xi32, #tpu.memory_space<hbm>> -> memref<8xi32, #tpu.memory_space<hbm>>
        tpu.enqueue_dma source(%dma_start3A_46 : memref<8xi32, #tpu.memory_space<hbm>>) target(%arg14 : memref<8xi32, #tpu.memory_space<vmem>>) target_semaphore(%run_scoped3A : memref<!tpu.dma_semaphore, #tpu.memory_space<semaphore_mem>>)
        %dma_wait3A_47 = arith.constant 0 : i32
        %dma_wait3A_48 = tpu.memref_slice %arg3[%add3A, %dma_wait3A_47] : memref<16x8xi32, #tpu.memory_space<hbm>> -> memref<1x8xi32, #tpu.memory_space<hbm>>
        %dma_wait3A_49 = tpu.memref_squeeze %dma_wait3A_48 : memref<1x8xi32, #tpu.memory_space<hbm>> -> memref<8xi32, #tpu.memory_space<hbm>>
        %dma_wait3A_50 = arith.constant 0 : i32
        %dma_wait3A_51 = tpu.memref_slice %arg3[%add3A, %dma_wait3A_50] : memref<16x8xi32, #tpu.memory_space<hbm>> -> memref<1x8xi32, #tpu.memory_space<hbm>>
        %dma_wait3A_52 = tpu.memref_squeeze %dma_wait3A_51 : memref<1x8xi32, #tpu.memory_space<hbm>> -> memref<8xi32, #tpu.memory_space<hbm>>
        tpu.wait_dma2 semaphore(%run_scoped3A : memref<!tpu.dma_semaphore, #tpu.memory_space<semaphore_mem>>) src(%dma_wait3A_52 : memref<8xi32, #tpu.memory_space<hbm>>) dst(%arg14 : memref<8xi32, #tpu.memory_space<vmem>>)
        tpu.yield
      }) : () -> ()
      %dma_start3A = arith.constant 0 : i32
      %dma_start3A_7 = arith.constant 0 : i32
      %dma_start3A_8 = tpu.memref_slice %arg7[%dma_start3A, %dma_start3A_7] : memref<100000x1024xf32, #tpu.memory_space<hbm>> -> memref<100000x1024xf32, #tpu.memory_space<hbm>>
      tpu.enqueue_indirect_dma source(%dma_start3A_8 : memref<100000x1024xf32, #tpu.memory_space<hbm>>) target(%arg15 : memref<8x1024xf32, #tpu.memory_space<vmem>>) offsets(%arg14 : memref<8xi32, #tpu.memory_space<vmem>>) semaphore(%arg17 : memref<!tpu.dma_semaphore, #tpu.memory_space<semaphore_mem>>)
      %and3A = arith.constant 7 : i32
      %and3A_9 = arith.andi %add3A, %and3A : i32
      %mul3A_10 = arith.constant 16 : i32
      %mul3A_11 = arith.muli %and3A_9, %mul3A_10 : i32
      %shift_right_arithmetic3A = arith.constant 3 : i32
      %shift_right_arithmetic3A_12 = arith.shrsi %add3A, %shift_right_arithmetic3A : i32
      %iota3A = tpu.iota {dimensions = array<i32: 0>} : vector<16xi32>
      %add3A_13 = vector.broadcast %mul3A_11 : i32 to vector<16xi32>
      %add3A_14 = arith.addi %add3A_13, %iota3A : vector<16xi32>
      %broadcast_in_dim3A = arith.constant 0 : i32
      %broadcast_in_dim3A_15 = vector.broadcast %broadcast_in_dim3A : i32 to vector<16xi32>
      %broadcast_in_dim3A_16 = arith.constant 65536 : i32
      %broadcast_in_dim3A_17 = vector.broadcast %broadcast_in_dim3A_16 : i32 to vector<16xi32>
      %scan3A = arith.constant 0 : i32
      %scan3A_18 = arith.constant 16 : i32
      %scan3A_19 = arith.addi %scan3A, %scan3A_18 : i32
      %scan3A_20 = arith.constant 1 : i32
      %scan3A_21:2 = scf.for %scan3A_41 = %scan3A to %scan3A_19 step %scan3A_20 iter_args(%scan3A_42 = %broadcast_in_dim3A_15, %scan3A_43 = %broadcast_in_dim3A_17) -> (vector<16xi32>, vector<16xi32>)  : i32 {
        %add3A_44 = arith.addi %scan3A_42, %scan3A_43 : vector<16xi32>
        %shift_right_arithmetic3A_45 = arith.constant 1 : i32
        %shift_right_arithmetic3A_46 = vector.broadcast %shift_right_arithmetic3A_45 : i32 to vector<16xi32>
        %shift_right_arithmetic3A_47 = arith.shrsi %add3A_44, %shift_right_arithmetic3A_46 : vector<16xi32>
        %dma_start3A_48 = arith.constant 0 : i32
        %dma_start3A_49 = tpu.memref_slice %arg4[%dma_start3A_48] : memref<65536xi32, #tpu.memory_space<hbm>> -> memref<65536xi32, #tpu.memory_space<hbm>>
        tpu.enqueue_indirect_dma source(%dma_start3A_49 : memref<65536xi32, #tpu.memory_space<hbm>>) target(%arg10 : memref<16xi32, #tpu.memory_space<vmem>>) offsets(%shift_right_arithmetic3A_47 : vector<16xi32>) semaphore(%arg16 : memref<!tpu.dma_semaphore, #tpu.memory_space<semaphore_mem>>)
        %dma_wait3A_50 = arith.constant 0 : i32
        %dma_wait3A_51 = tpu.memref_slice %arg4[%dma_wait3A_50] : memref<65536xi32, #tpu.memory_space<hbm>> -> memref<65536xi32, #tpu.memory_space<hbm>>
        tpu.wait_indirect_dma semaphore(%arg16 : memref<!tpu.dma_semaphore, #tpu.memory_space<semaphore_mem>>) src(%dma_wait3A_51 : memref<65536xi32, #tpu.memory_space<hbm>>) dst(%arg10 : memref<16xi32, #tpu.memory_space<vmem>>)
        %get3A = arith.constant 0 : index
        %get3A_52 = tpu.vector_load %arg10[%get3A] {strides = array<i32>} : memref<16xi32, #tpu.memory_space<vmem>>, vector<16xi32>,
        %get3A_53 = vector.shape_cast %get3A_52 : vector<16xi32> to vector<16xi32>
        %lt3A_54 = arith.cmpi slt, %get3A_53, %add3A_14 : vector<16xi32>
        %add3A_55 = arith.constant 1 : i32
        %add3A_56 = vector.broadcast %add3A_55 : i32 to vector<16xi32>
        %add3A_57 = arith.addi %shift_right_arithmetic3A_47, %add3A_56 : vector<16xi32>
        %select_n3A = arith.select %lt3A_54, %add3A_57, %scan3A_42 : vector<16xi1>, vector<16xi32>
        %select_n3A_58 = arith.select %lt3A_54, %scan3A_43, %shift_right_arithmetic3A_47 : vector<16xi1>, vector<16xi32>
        scf.yield %select_n3A, %select_n3A_58 : vector<16xi32>, vector<16xi32>
      }
      %scan3A_22 = arith.constant 16 : i32
      %add3A_23 = vector.broadcast %shift_right_arithmetic3A_12 : i32 to vector<16xi32>
      %add3A_24 = arith.addi %scan3A_21#0, %add3A_23 : vector<16xi32>
      %min3A = arith.constant 65535 : i32
      %min3A_25 = vector.broadcast %min3A : i32 to vector<16xi32>
      %min3A_26 = arith.minsi %add3A_24, %min3A_25 : vector<16xi32>
      %dma_start3A_27 = arith.constant 0 : i32
      %dma_start3A_28 = arith.constant 0 : i32
      %dma_start3A_29 = tpu.memref_slice %arg5[%dma_start3A_27, %dma_start3A_28] : memref<65536x128xf32, #tpu.memory_space<hbm>> -> memref<65536x128xf32, #tpu.memory_space<hbm>>
      tpu.enqueue_indirect_dma source(%dma_start3A_29 : memref<65536x128xf32, #tpu.memory_space<hbm>>) target(%arg11 : memref<16x128xf32, #tpu.memory_space<vmem>>) offsets(%min3A_26 : vector<16xi32>) semaphore(%arg16 : memref<!tpu.dma_semaphore, #tpu.memory_space<semaphore_mem>>)
      %dma_wait3A = arith.constant 0 : i32
      %dma_wait3A_30 = arith.constant 0 : i32
      %dma_wait3A_31 = tpu.memref_slice %arg5[%dma_wait3A, %dma_wait3A_30] : memref<65536x128xf32, #tpu.memory_space<hbm>> -> memref<65536x128xf32, #tpu.memory_space<hbm>>
      tpu.wait_indirect_dma semaphore(%arg16 : memref<!tpu.dma_semaphore, #tpu.memory_space<semaphore_mem>>) src(%dma_wait3A_31 : memref<65536x128xf32, #tpu.memory_space<hbm>>) dst(%arg11 : memref<16x128xf32, #tpu.memory_space<vmem>>)
      %mul3A_32 = arith.constant 16 : i32
      %mul3A_33 = arith.muli %add3A, %mul3A_32 : i32
      "tpu.region"() ({
        %run_scoped3A = tpu.sem_alloc : memref<!tpu.dma_semaphore, #tpu.memory_space<semaphore_mem>>
        %dma_start3A_41 = arith.constant 0 : i32
        %dma_start3A_42 = tpu.memref_slice %arg9[%mul3A_33, %dma_start3A_41] : memref<256x128xf32, #tpu.memory_space<hbm>> -> memref<16x128xf32, #tpu.memory_space<hbm>>
        %dma_start3A_43 = arith.constant 0 : i32
        %dma_start3A_44 = tpu.memref_slice %arg9[%mul3A_33, %dma_start3A_43] : memref<256x128xf32, #tpu.memory_space<hbm>> -> memref<16x128xf32, #tpu.memory_space<hbm>>
        tpu.enqueue_dma source(%arg11 : memref<16x128xf32, #tpu.memory_space<vmem>>) target(%dma_start3A_44 : memref<16x128xf32, #tpu.memory_space<hbm>>) target_semaphore(%run_scoped3A : memref<!tpu.dma_semaphore, #tpu.memory_space<semaphore_mem>>)
        %dma_wait3A_45 = arith.constant 0 : i32
        %dma_wait3A_46 = tpu.memref_slice %arg9[%mul3A_33, %dma_wait3A_45] : memref<256x128xf32, #tpu.memory_space<hbm>> -> memref<16x128xf32, #tpu.memory_space<hbm>>
        %dma_wait3A_47 = arith.constant 0 : i32
        %dma_wait3A_48 = tpu.memref_slice %arg9[%mul3A_33, %dma_wait3A_47] : memref<256x128xf32, #tpu.memory_space<hbm>> -> memref<16x128xf32, #tpu.memory_space<hbm>>
        tpu.wait_dma2 semaphore(%run_scoped3A : memref<!tpu.dma_semaphore, #tpu.memory_space<semaphore_mem>>) src(%arg11 : memref<16x128xf32, #tpu.memory_space<vmem>>) dst(%dma_wait3A_48 : memref<16x128xf32, #tpu.memory_space<hbm>>)
        tpu.yield
      }) : () -> ()
      %dma_wait3A_34 = arith.constant 0 : i32
      %dma_wait3A_35 = arith.constant 0 : i32
      %dma_wait3A_36 = tpu.memref_slice %arg7[%dma_wait3A_34, %dma_wait3A_35] : memref<100000x1024xf32, #tpu.memory_space<hbm>> -> memref<100000x1024xf32, #tpu.memory_space<hbm>>
      tpu.wait_indirect_dma semaphore(%arg17 : memref<!tpu.dma_semaphore, #tpu.memory_space<semaphore_mem>>) src(%dma_wait3A_36 : memref<100000x1024xf32, #tpu.memory_space<hbm>>) dst(%arg15 : memref<8x1024xf32, #tpu.memory_space<vmem>>)
      %mul3A_37 = arith.constant 8 : i32
      %mul3A_38 = arith.muli %add3A, %mul3A_37 : i32
      %add3A_39 = arith.constant 256 : i32
      %add3A_40 = arith.addi %add3A_39, %mul3A_38 : i32
      "tpu.region"() ({
        %run_scoped3A = tpu.sem_alloc : memref<!tpu.dma_semaphore, #tpu.memory_space<semaphore_mem>>
        %dma_start3A_41 = arith.constant 0 : i32
        %dma_start3A_42 = tpu.memref_slice %arg8[%add3A_40, %dma_start3A_41] : memref<384x1024xf32, #tpu.memory_space<hbm>> -> memref<8x1024xf32, #tpu.memory_space<hbm>>
        %dma_start3A_43 = arith.constant 0 : i32
        %dma_start3A_44 = tpu.memref_slice %arg8[%add3A_40, %dma_start3A_43] : memref<384x1024xf32, #tpu.memory_space<hbm>> -> memref<8x1024xf32, #tpu.memory_space<hbm>>
        tpu.enqueue_dma source(%arg15 : memref<8x1024xf32, #tpu.memory_space<vmem>>) target(%dma_start3A_44 : memref<8x1024xf32, #tpu.memory_space<hbm>>) target_semaphore(%run_scoped3A : memref<!tpu.dma_semaphore, #tpu.memory_space<semaphore_mem>>)
        %dma_wait3A_45 = arith.constant 0 : i32
        %dma_wait3A_46 = tpu.memref_slice %arg8[%add3A_40, %dma_wait3A_45] : memref<384x1024xf32, #tpu.memory_space<hbm>> -> memref<8x1024xf32, #tpu.memory_space<hbm>>
        %dma_wait3A_47 = arith.constant 0 : i32
        %dma_wait3A_48 = tpu.memref_slice %arg8[%add3A_40, %dma_wait3A_47] : memref<384x1024xf32, #tpu.memory_space<hbm>> -> memref<8x1024xf32, #tpu.memory_space<hbm>>
        tpu.wait_dma2 semaphore(%run_scoped3A : memref<!tpu.dma_semaphore, #tpu.memory_space<semaphore_mem>>) src(%arg15 : memref<8x1024xf32, #tpu.memory_space<vmem>>) dst(%dma_wait3A_48 : memref<8x1024xf32, #tpu.memory_space<hbm>>)
        tpu.yield
      }) : () -> ()
    } else {
    }
    return
  }
}

module attributes {stable_mosaic.version = 14 : i64} {
  func.func @_dense_body(%arg0: memref<384x1024xf32, #tpu.memory_space<vmem>>, %arg1: memref<256x128xf32, #tpu.memory_space<vmem>>, %arg2: memref<1024x128xf32, #tpu.memory_space<vmem>>, %arg3: memref<1x128xf32, #tpu.memory_space<vmem>>, %arg4: memref<384x256xf32, #tpu.memory_space<vmem>>, %arg5: memref<1x256xf32, #tpu.memory_space<vmem>>, %arg6: memref<1x256xf32, #tpu.memory_space<vmem>>, %arg7: memref<1x256xf32, #tpu.memory_space<vmem>>, %arg8: memref<1x256xf32, #tpu.memory_space<vmem>>, %arg9: memref<1x1xf32, #tpu.memory_space<vmem>>, %arg10: memref<128x1xf32, #tpu.memory_space<vmem>>) attributes {dimension_semantics = [], scalar_prefetch = 0 : i64, scratch_operands = 0 : i64, tpu.core_type = #tpu.core_type<tc>} {
    %get3A = arith.constant 0 : index
    %get3A_0 = arith.constant 0 : index
    %get3A_1 = vector.load %arg0[%get3A, %get3A_0] : memref<384x1024xf32, #tpu.memory_space<vmem>>, vector<384x1024xf32>
    %get3A_2 = arith.constant 0 : index
    %get3A_3 = arith.constant 0 : index
    %get3A_4 = vector.load %arg2[%get3A_2, %get3A_3] : memref<1024x128xf32, #tpu.memory_space<vmem>>, vector<1024x128xf32>
    %dot_general3A = arith.constant dense<0.000000e+00> : vector<384x128xf32>
    %dot_general3A_5 = tpu.matmul %get3A_1, %get3A_4, %dot_general3A {dimension_numbers = #tpu.dot_dimension_numbers<[1], [0], [0], [1], [0, 0, 1, 1], [], []>, transpose_lhs_hint = false} : vector<384x1024xf32>, vector<1024x128xf32>, vector<384x128xf32> -> vector<384x128xf32>
    %get3A_6 = arith.constant 0 : index
    %get3A_7 = arith.constant 0 : index
    %get3A_8 = vector.load %arg3[%get3A_6, %get3A_7] : memref<1x128xf32, #tpu.memory_space<vmem>>, vector<1x128xf32>
    %add3A = vector.broadcast %get3A_8 : vector<1x128xf32> to vector<384x128xf32>
    %add3A_9 = arith.addf %dot_general3A_5, %add3A : vector<384x128xf32>
    %slice3A = vector.extract_strided_slice %add3A_9 {offsets = [0, 0], sizes = [128, 128], strides = [1, 1]} : vector<384x128xf32> to vector<128x128xf32>
    %slice3A_10 = vector.extract_strided_slice %add3A_9 {offsets = [128, 0], sizes = [128, 128], strides = [1, 1]} : vector<384x128xf32> to vector<128x128xf32>
    %slice3A_11 = vector.extract_strided_slice %add3A_9 {offsets = [256, 0], sizes = [128, 128], strides = [1, 1]} : vector<384x128xf32> to vector<128x128xf32>
    %get3A_12 = arith.constant 0 : index
    %get3A_13 = arith.constant 0 : index
    %get3A_14 = vector.load %arg1[%get3A_12, %get3A_13] : memref<256x128xf32, #tpu.memory_space<vmem>>, vector<128x128xf32>
    %get3A_15 = arith.constant 128 : index
    %get3A_16 = arith.constant 0 : index
    %get3A_17 = vector.load %arg1[%get3A_15, %get3A_16] : memref<256x128xf32, #tpu.memory_space<vmem>>, vector<128x128xf32>
    %add3A_18 = arith.addf %get3A_14, %slice3A : vector<128x128xf32>
    %add3A_19 = arith.addf %get3A_17, %slice3A_10 : vector<128x128xf32>
    %concatenate3A = tpu.concatenate %add3A_18, %slice3A_11, %add3A_19 in 1 : vector<128x128xf32>, vector<128x128xf32>, vector<128x128xf32> -> vector<128x384xf32>
    %get3A_20 = arith.constant 0 : index
    %get3A_21 = arith.constant 0 : index
    %get3A_22 = vector.load %arg4[%get3A_20, %get3A_21] : memref<384x256xf32, #tpu.memory_space<vmem>>, vector<384x256xf32>
    %dot_general3A_23 = arith.constant dense<0.000000e+00> : vector<128x256xf32>
    %dot_general3A_24 = tpu.matmul %concatenate3A, %get3A_22, %dot_general3A_23 {dimension_numbers = #tpu.dot_dimension_numbers<[1], [0], [0], [1], [0, 0, 1, 1], [], []>, transpose_lhs_hint = false} : vector<128x384xf32>, vector<384x256xf32>, vector<128x256xf32> -> vector<128x256xf32>
    %get3A_25 = arith.constant 0 : index
    %get3A_26 = arith.constant 0 : index
    %get3A_27 = vector.load %arg5[%get3A_25, %get3A_26] : memref<1x256xf32, #tpu.memory_space<vmem>>, vector<1x256xf32>
    %add3A_28 = vector.broadcast %get3A_27 : vector<1x256xf32> to vector<128x256xf32>
    %add3A_29 = arith.addf %dot_general3A_24, %add3A_28 : vector<128x256xf32>
    %reduce_sum3A = arith.constant dense<0.000000e+00> : vector<256xf32>
    %reduce_sum3A_30 = vector.multi_reduction <add>, %add3A_29, %reduce_sum3A [0] : vector<128x256xf32> to vector<256xf32>
    %broadcast_in_dim3A = vector.shape_cast %reduce_sum3A_30 : vector<256xf32> to vector<1x256xf32>
    %div3A = arith.constant 1.280000e+02 : f32
    %div3A_31 = vector.broadcast %div3A : f32 to vector<1x256xf32>
    %div3A_32 = arith.divf %broadcast_in_dim3A, %div3A_31 : vector<1x256xf32>
    %sub3A = vector.broadcast %div3A_32 : vector<1x256xf32> to vector<128x256xf32>
    %sub3A_33 = arith.subf %add3A_29, %sub3A : vector<128x256xf32>
    %square3A = arith.mulf %sub3A_33, %sub3A_33 : vector<128x256xf32>
    %reduce_sum3A_34 = arith.constant dense<0.000000e+00> : vector<256xf32>
    %reduce_sum3A_35 = vector.multi_reduction <add>, %square3A, %reduce_sum3A_34 [0] : vector<128x256xf32> to vector<256xf32>
    %broadcast_in_dim3A_36 = vector.shape_cast %reduce_sum3A_35 : vector<256xf32> to vector<1x256xf32>
    %div3A_37 = arith.constant 1.280000e+02 : f32
    %div3A_38 = vector.broadcast %div3A_37 : f32 to vector<1x256xf32>
    %div3A_39 = arith.divf %broadcast_in_dim3A_36, %div3A_38 : vector<1x256xf32>
    %sub3A_40 = vector.broadcast %div3A_32 : vector<1x256xf32> to vector<128x256xf32>
    %sub3A_41 = arith.subf %add3A_29, %sub3A_40 : vector<128x256xf32>
    %add3A_42 = arith.constant 9.99999974E-6 : f32
    %add3A_43 = vector.broadcast %add3A_42 : f32 to vector<1x256xf32>
    %add3A_44 = arith.addf %div3A_39, %add3A_43 : vector<1x256xf32>
    %rsqrt3A = math.rsqrt %add3A_44 : vector<1x256xf32>
    %mul3A = vector.broadcast %rsqrt3A : vector<1x256xf32> to vector<128x256xf32>
    %mul3A_45 = arith.mulf %sub3A_41, %mul3A : vector<128x256xf32>
    %get3A_46 = arith.constant 0 : index
    %get3A_47 = arith.constant 0 : index
    %get3A_48 = vector.load %arg6[%get3A_46, %get3A_47] : memref<1x256xf32, #tpu.memory_space<vmem>>, vector<1x256xf32>
    %mul3A_49 = vector.broadcast %get3A_48 : vector<1x256xf32> to vector<128x256xf32>
    %mul3A_50 = arith.mulf %mul3A_45, %mul3A_49 : vector<128x256xf32>
    %get3A_51 = arith.constant 0 : index
    %get3A_52 = arith.constant 0 : index
    %get3A_53 = vector.load %arg7[%get3A_51, %get3A_52] : memref<1x256xf32, #tpu.memory_space<vmem>>, vector<1x256xf32>
    %add3A_54 = vector.broadcast %get3A_53 : vector<1x256xf32> to vector<128x256xf32>
    %add3A_55 = arith.addf %mul3A_50, %add3A_54 : vector<128x256xf32>
    %max3A = arith.constant 0.000000e+00 : f32
    %max3A_56 = vector.broadcast %max3A : f32 to vector<128x256xf32>
    %max3A_57 = arith.maximumf %add3A_55, %max3A_56 : vector<128x256xf32>
    %get3A_58 = arith.constant 0 : index
    %get3A_59 = arith.constant 0 : index
    %get3A_60 = vector.load %arg8[%get3A_58, %get3A_59] : memref<1x256xf32, #tpu.memory_space<vmem>>, vector<1x256xf32>
    %mul3A_61 = vector.broadcast %get3A_60 : vector<1x256xf32> to vector<128x256xf32>
    %mul3A_62 = arith.mulf %max3A_57, %mul3A_61 : vector<128x256xf32>
    %reduce_sum3A_63 = arith.constant dense<0.000000e+00> : vector<128xf32>
    %reduce_sum3A_64 = vector.multi_reduction <add>, %mul3A_62, %reduce_sum3A_63 [1] : vector<128x256xf32> to vector<128xf32>
    %broadcast_in_dim3A_65 = vector.shape_cast %reduce_sum3A_64 : vector<128xf32> to vector<128x1xf32>
    %get3A_66 = arith.constant 0 : index
    %get3A_67 = arith.constant 0 : index
    %get3A_68 = vector.load %arg9[%get3A_66, %get3A_67] : memref<1x1xf32, #tpu.memory_space<vmem>>, vector<1x1xf32>
    %add3A_69 = vector.broadcast %get3A_68 : vector<1x1xf32> to vector<128x1xf32>
    %add3A_70 = arith.addf %broadcast_in_dim3A_65, %add3A_69 : vector<128x1xf32>
    %neg3A = arith.constant 0.000000e+00 : f32
    %neg3A_71 = vector.broadcast %neg3A : f32 to vector<128x1xf32>
    %neg3A_72 = arith.subf %neg3A_71, %add3A_70 : vector<128x1xf32>
    %exp3A = math.exp %neg3A_72 : vector<128x1xf32>
    %add3A_73 = arith.constant 1.000000e+00 : f32
    %add3A_74 = vector.broadcast %add3A_73 : f32 to vector<128x1xf32>
    %add3A_75 = arith.addf %add3A_74, %exp3A : vector<128x1xf32>
    %div3A_76 = arith.constant 1.000000e+00 : f32
    %div3A_77 = vector.broadcast %div3A_76 : f32 to vector<128x1xf32>
    %div3A_78 = arith.divf %div3A_77, %add3A_75 : vector<128x1xf32>
    %swap3A = arith.constant 0 : index
    %swap3A_79 = arith.constant 0 : index
    %swap3A_80 = vector.load %arg10[%swap3A, %swap3A_79] : memref<128x1xf32, #tpu.memory_space<vmem>>, vector<128x1xf32>
    tpu.vector_store %arg10[%swap3A, %swap3A_79], %div3A_78 {strides = array<i32>} : memref<128x1xf32, #tpu.memory_space<vmem>>, vector<128x1xf32>,
    return
  }
}

</mosaic_0001>

<sc_bundles>
// kernel: kernel.4.cloned.1.call-start
scs
__scs_entry_jumppad:
0x0: {  	(pc) =	sbr.rel $0x88, $3  }
0x1: {  	(tag) =	ssettag $0x0;
	lr =	simm.s32 $0x1  }
0x2: {  	[smem:$0x3F94] =	sst lr;
	_ =	strace $0xD0000000  }
0x3: {  	_ = 	snop  }
0x4: {  	_ = 	snop  }
0x5: {  	_ = 	snop  }
0x6: {  	_ = 	snop  }
0x7: {  	_ = 	snop  }
__scs_overlays_trampoline_lowered:
0x8: {  	[smem:$0x3FA3] =	sst s0  }
0x9: {  	[smem:$0x3FA4] =	sst s1  }
0xa: {  	[smem:$0x3FA5] =	sst s2  }
0xb: {  	[smem:$0x3FA6] =	sst s3  }
0xc: {  	[smem:$0x3FA7] =	sst s4  }
0xd: {  	[smem:$0x3FA8] =	sst s5  }
0xe: {  	[smem:$0x3FA9] =	sst s6  }
0xf: {  	[smem:$0x3FAA] =	sst s7  }
0x10: {  	[smem:$0x3FAB] =	sst s8  }
0x11: {  	[smem:$0x3FAC] =	sst s9;
	s0 =	simm.s32 @!p0 $0x0  }
0x12: {  	s1 =	sld [smem:$0x3F92];
	s0 =	simm.s32 @p0 $0x1  }
0x13: {  	[smem:$0x3FAD] =	sst s0;
	s0 =	simm.s32 @!p1 $0x0  }
0x14: {  	s2 =	sld [smem:$0x3F91];
	s0 =	simm.s32 @p1 $0x1  }
0x15: {  	[smem:$0x3FAE] =	sst s0;
	s0 =	simm.s32 @!p2 $0x0  }
0x16: {  	s3 =	sld [smem:$0x3FDB];
	s0 =	simm.s32 @p2 $0x1  }
0x17: {  	s4 =	simm.s32 $0x1BF5;
	[smem:$0x3FB0] =	sst s0  }
0x18: {  	s0 =	sld [smem:$0x3F93];
	_ =	swait.ge [sflag:s4], $0x0  }
0x19: {  	s7 =	sld [smem:$0x3F94]  }
0x1a: {  	s8 =	sadd.s32 $0xFFFFE003, lr  }
0x1b: {  	s9 =	sadd.s32 $0xFFFFFEF7, lr;
	s5 =	simm.s32 $0xFFFFFFFF;
	p2 =	slt.u32 s8, $0xFFFFF086  }
0x1c: {  	p1 =	slt.u32 s9, $0xF7A;
	s5 =	simm.s32 @!p2 $0x0  }
0x1d: {  	s5 =	simm.s32 @p1 $0x1;
	p0 =	seq.s32 s7, s2  }
0x1e: {  	s7 =	smul.u32 @!p0 $0xF7A, s2;
	p2 =	seq.s32 @!p0 s5, $0x0  }
0x1f: {  	s9 =	smul.u32 $0xF7A, s1;
	s8 =	simm.s32 @!p0 $0x1BF5;
	p2 =	por !p2, p0  }
0x20: {  	[sflag:s8] =	ssyncset.s32 @!p0 $0xFFFFF086;
	s6 =	sadd.s32 @!p0 s3, s7;
	s7 =	simm.s32 @!p0 $0x108  }
0x21: {  	s3 =	sadd.s32 s3, s9;
	s6 =	sadd.s32 @!p0 $0x88, s6;
	s7 =	simm.s32 @p2 $0x1082  }
0x22: {  	[simem:s7], [sflag:s8] =	dma.local @!p0 [hbm:s6], $0xF7A  }
0x23: {  	s9 =	sor.u32 $0xD0000000, s2;
	s6 =	simm.s32 $0x108;
	_ =	swait.ge @!p0 [sflag:s8], $0x0  }
0x24: {  	s3 =	sadd.s32 $0x88, s3;
	s6 =	simm.s32 @!p1 $0x1082;
	[sflag:s4] =	ssyncset.s32 $0xFFFFF086  }
0x25: {  	[simem:s6], [sflag:s4] =	dma.local [hbm:s3], $0xF7A  }
0x26: {  	[smem:$0x3F94] =	sst s1;
	(tag) =	ssettag s2;
	_ =	strace s9  }
0x27: {  	s1 =	sld [smem:$0x3FA4]  }
0x28: {  	s2 =	sld [smem:$0x3FA5]  }
0x29: {  	s4 =	sld [smem:$0x3FA7]  }
0x2a: {  	p0 =	seq.s32 s5, $0x0;
	s5 =	sld [smem:$0x3FA8]  }
0x2b: {  	s6 =	sld [smem:$0x3FA9]  }
0x2c: {  	s7 =	sld [smem:$0x3FAA]  }
0x2d: {  	s3 =	simm.s32 $0x108;
	s8 =	sld [smem:$0x3FAB]  }
0x2e: {  	s3 =	simm.s32 @!p0 $0x1082;
	s9 =	sld [smem:$0x3FAC]  }
0x2f: {  	lr =	sadd.s32 s0, s3;
	s0 =	sld [smem:$0x3FA3]  }
0x30: {  	s3 =	sld [smem:$0x3FA6]  }
0x31: {  	[smem:$0x3FAF] =	sst s10  }
0x32: {  	s10 =	sld [smem:$0x3FAD];
	_ =	sdelay $0x3  }
0x33: {  	p0 =	seq.s32 s10, $0x1;
	s10 =	sld [smem:$0x3FAF];
	_ =	sdelay $0x3  }
0x34: {  	[smem:$0x3FAF] =	sst s10  }
0x35: {  	s10 =	sld [smem:$0x3FAE];
	_ =	sdelay $0x3  }
0x36: {  	p1 =	seq.s32 s10, $0x1;
	s10 =	sld [smem:$0x3FAF];
	_ =	sdelay $0x3  }
0x37: {  	[smem:$0x3FAF] =	sst s10  }
0x38: {  	s10 =	sld [smem:$0x3FB0]  }
0x39: {  	_ = 	snop;
	(pc) =	sbr.ind lr, $3  }
0x3a: {  	_ = 	snop  }
0x3b: {  	_ = 	snop  }
0x3c: {  	p2 =	seq.s32 s10, $0x1;
	s10 =	sld [smem:$0x3FAF]  }
0x3d: {  	_ =	shalt  }
0x3e: {  	_ =	shalt  }
0x3f: {  	_ =	shalt  }
0x40: {  	_ =	shalt  }
0x41: {  	_ =	shalt  }
0x42: {  	_ =	shalt  }
0x43: {  	_ =	shalt  }
0x44: {  	_ =	shalt  }
0x45: {  	_ =	shalt  }
0x46: {  	_ =	shalt  }
0x47: {  	_ =	shalt  }
0x48: {  	_ =	shalt  }
0x49: {  	_ =	shalt  }
0x4a: {  	_ =	shalt  }
0x4b: {  	_ =	shalt  }
0x4c: {  	_ =	shalt  }
0x4d: {  	_ =	shalt  }
0x4e: {  	_ =	shalt  }
0x4f: {  	_ =	shalt  }
0x50: {  	_ =	shalt  }
0x51: {  	_ =	shalt  }
0x52: {  	_ =	shalt  }
0x53: {  	_ =	shalt  }
0x54: {  	_ =	shalt  }
0x55: {  	_ =	shalt  }
0x56: {  	_ =	shalt  }
0x57: {  	_ =	shalt  }
0x58: {  	_ =	shalt  }
0x59: {  	_ =	shalt  }
0x5a: {  	_ =	shalt  }
0x5b: {  	_ =	shalt  }
0x5c: {  	_ =	shalt  }
0x5d: {  	_ =	shalt  }
0x5e: {  	_ =	shalt  }
0x5f: {  	_ =	shalt  }
0x60: {  	_ =	shalt  }
0x61: {  	_ =	shalt  }
0x62: {  	_ =	shalt  }
0x63: {  	_ =	shalt  }
0x64: {  	_ =	shalt  }
0x65: {  	_ =	shalt  }
0x66: {  	_ =	shalt  }
0x67: {  	_ =	shalt  }
0x68: {  	_ =	shalt  }
0x69: {  	_ =	shalt  }
0x6a: {  	_ =	shalt  }
0x6b: {  	_ =	shalt  }
0x6c: {  	_ =	shalt  }
0x6d: {  	_ =	shalt  }
0x6e: {  	_ =	shalt  }
0x6f: {  	_ =	shalt  }
0x70: {  	_ =	shalt  }
0x71: {  	_ =	shalt  }
0x72: {  	_ =	shalt  }
0x73: {  	_ =	shalt  }
0x74: {  	_ =	shalt  }
0x75: {  	_ =	shalt  }
0x76: {  	_ =	shalt  }
0x77: {  	_ =	shalt  }
0x78: {  	_ =	shalt  }
0x79: {  	_ =	shalt  }
0x7a: {  	_ =	shalt  }
0x7b: {  	_ =	shalt  }
0x7c: {  	_ =	shalt  }
0x7d: {  	_ =	shalt  }
0x7e: {  	_ =	shalt  }
0x7f: {  	_ =	shalt  }
0x80: {  	_ =	shalt  }
0x81: {  	_ =	shalt  }
0x82: {  	_ =	shalt  }
0x83: {  	_ =	shalt  }
0x84: {  	_ =	shalt  }
0x85: {  	_ =	shalt  }
0x86: {  	_ =	shalt  }
0x87: {  	_ =	shalt  }
.Lfunc_end0:
.L_simem_size_0:
called_computation_lowered:
.L_overlay_start_0:
0x88: {  	s2 =	sld [smem:$0x3FD9]  }
0x89: {  	s3 =	sld [smem:$0x3FFE];
	_ =	sdelay $0x1  }
0x8a: {  	s1 =	srdreg.scid  }
0x8b: {  	s0 =	sand.u32 $0x1, s1  }
0x8c: {  	s17 =	sshll.u32 s0, $0xA;
	s2 =	sadd.s32 s3, s2  }
0x8d: {  	s2 =	sadd.s32 s2, s17  }
0x8e: {  	[smem:$0x3FBB] =	sst s2  }
0x8f: {  	_ = 	snop  }
0x90: {  	s2 =	sld [smem:$0x3FC8]  }
0x91: {  	s18 =	sld [smem:$0x3FC7]  }
0x92: {  	s4 =	sld [smem:$0x3FC6]  }
0x93: {  	s5 =	sld [smem:$0x3FC5];
	(tm) =	ssettm $0x1  }
0x94: {  	s6 =	sld [smem:$0x3FFB];
	_ =	sdelay $0x3  }
0x95: {  	_ =	strace s6  }
0x96: {  	s6 =	sld [smem:$0x3FFC];
	_ =	sdelay $0x3  }
0x97: {  	_ =	strace s6  }
0x98: {  	s6 =	sld [smem:$0x3FFD];
	_ =	sdelay $0x3  }
0x99: {  	_ =	strace s6  }
0x9a: {  	_ =	strace $0x8FFFFFFF  }
0x9b: {  	s19 =	sld [smem:$0x3FDB];
	_ =	sdelay $0x1  }
0x9c: {  	s7 =	simm.s32 $_scs_section_size  }
0x9d: {  	s8 =	simm.s32 $_size__tile_overlayer_lowered;
	s9 =	simm.s32 $_tile_overlayer_lowered  }
0x9e: {  	s22 =	simm.s32 $0x1BFF;
	s21 =	sshll.u32 s9, $0x1;
	s6 =	sadd.s32 s7, s19  }
0x9f: {  	s10 =	simm.s32 $0x0;
	s20 =	sshll.u32 s8, $0x1;
	s8 =	sadd.s32 s21, s6  }
0xa0: {  	[timem:s10], [sflag:s22] =	dma.local [hbm:s8], s20  }
0xa1: {  	_ =	swait.ge [sflag:s22], s20  }
0xa2: {  	s7 =	ssub.s32 $0x0, s20;
	[sflag:s22] =	ssyncset.done $0x0  }
0xa3: {  	[sflag:s22] =	ssyncadd.s32 s7;
	_ =	sdelay $0x1  }
0xa4: {  	s23 =	simm.s32 $0x1B8B  }
0xa5: {  	_ =	swait.ge [sflag:s23], $0x1  }
0xa6: {  	[sflag:s23] =	ssyncset.done $0x0  }
0xa7: {  	s25 =	simm.s32 $0x1B8E;
	s24 =	sld [smem:$0x3FFE];
	[sflag:s23] =	ssyncadd.s32 $0xFFFFFFFF  }
0xa8: {  	s26 =	simm.s32 $execute0_lowered;
	[smem:$0x3FD2] =	sst s25  }
0xa9: {  	s8 =	sshll.u32 s26, $0x1;
	_ =	strace $0x80000046;
	[dreg:$0x1] =	wrdreg $0xFFFFFFFF  }
0xaa: {  	s28 =	simm.s32 $_size_execute0_lowered;
	s6 =	sadd.s32 s6, s8;
	[dreg:$0x0] =	wrdreg $0x0  }
0xab: {  	s8 =	sshll.u32 s28, $0x1;
	[dreg:$0x2] =	wrdreg s6  }
0xac: {  	[dreg:$0x3] =	wrdreg s8  }
0xad: {  	[dreg:$0x4] =	wrdreg $0xC0  }
0xae: {  	_ =	task [dreg:s10], $0x5FFFF  }
0xaf: {  	[dreg:$0x1] =	wrdreg $0xFFFFFFFF  }
0xb0: {  	[dreg:$0x0] =	wrdreg $0x60  }
0xb1: {  	[dreg:$0x2] =	wrdreg s24  }
0xb2: {  	[dreg:$0x3] =	wrdreg s2  }
0xb3: {  	[dreg:$0x4] =	wrdreg s18  }
0xb4: {  	[dreg:$0x5] =	wrdreg s4  }
0xb5: {  	[dreg:$0x6] =	wrdreg s5  }
0xb6: {  	[dreg:$0x7] =	wrdreg $0x9  }
0xb7: {  	_ =	task.clear_ibuf [dreg:s10], $0x8FFFF;
	_ =	strace $0x90000046  }
0xb8: {  	s29 =	simm.s32 $0x9;
	_ =	strace $0x80000048  }
0xb9: {  	_ =	swait.ge [sflag:s29], $0x1  }
0xba: {  	[sflag:s29] =	ssyncadd.s32 $0xFFFFFFFF  }
0xbb: {  	_ =	strace $0x90000048  }
0xbc: {  	_ =	sfence  }
0xbd: {  	s30 =	sld [smem:$0x0];
	_ =	sdelay $0x2  }
0xbe: {  	s31 =	sshll.u32 s1, $0xD;
	s1 =	sshrl.u32 s1, $0x2  }
0xbf: {  	s3 =	sand.u32 $0x4000, s31;
	s1 =	sadd.s32 s1, s30  }
0xc0: {  	s0 =	sor.u32 s3, s0;
	s1 =	sshll.u32 s1, $0x11  }
0xc1: {  	s0 =	sor.u32 s1, s0  }
0xc2: {  	s0 =	sadd.s32 $0x8F2B, s0  }
0xc3: {  	[sflag:s0] =	ssyncadd.remote.s32 $0x1  }
0xc4: {  	_ =	sfence.sel $0xFFFF  }
0xc5: {  	[dreg:$0x0] =	wrdreg $0xFFFFFFFF;
	(pc) =	sbr.abs _section_cstart, $3  }
0xc6: {  	[dreg:$0x1] =	wrdreg $0xFFFFFFFF  }
0xc7: {  	_ =	task.clear_ibuf [dreg:s10], $0x2FFFF;
	_ =	strace $0x9FFFFFFF  }
0xc8: {  	(tm) =	ssettm $0x7FFFFFFF  }
0xc9: {  	_ =	shalt  }
tec
execute0_lowered:
.L_overlay_start_1:
0x0: {  	(tag) =	ssettag $0x1  }
0x1: {  	s2 =	rddreg [dreg:$0x0]  }
0x2: {  	s1 =	rddreg [dreg:$0x1]  }
0x3: {  	s0 =	srdreg.scid;
	s4 =	rddreg [dreg:$0x3]  }
0x4: {  	s20 =	stileid.u32;
	s10 =	rddreg [dreg:$0x4]  }
0x5: {  	s21 =	simm.s32 $0x900;
	s28 =	simm.s32 $0x3900;
	s29 =	simm.s32 $0x4100  }
0x6: {  	s30 =	simm.s32 $0x1;
	s31 =	simm.s32 $0x4900;
	s0 =	sand.u32 $0x1, s0  }
0x7: {  	s3 =	sshll.u32 s20, $0x1;
	s17 =	sadd.s32 $0x1000, s2;
	s9 =	sadd.s32 $0x200, s10  }
0x8: {  	s22 =	sshrl.u32 s20, $0x2;
	s14 =	sadd.s32 $0x100, s4;
	s15 =	sadd.s32 $0x200, s4  }
0x9: {  	s16 =	sadd.s32 $0x300, s4;
	p0 =	slt.u32 s20, $0x8;
	s20 =	simm.s32 $0x3  }
0xa: {  	s3 =	sor.u32 s0, s3;
	s0 =	ssub.s32 $0x2, s0;
	v1 =	vmov s22;
	s22 =	simm.s32 $0x2  }
0xb: {  	s5 =	sadd.s32 $0xFFFFFFF0, s3;
	s7 =	sshll.u32 s3, $0x7;
	s11 =	sshll.u32 s3, $0x4  }
0xc: {  	s24 =	sshll.u32 s3, $0x8;
	s25 =	sshrl.u32 s0, $0x1;
	s3 =	sshll.u32 s3, $0xA  }
0xd: {  	s6 =	sshll.u32 s5, $0x7;
	s7 =	sand.u32 $0x380, s7;
	s23 =	sadd.s32 s11, s2  }
0xe: {  	s0 =	ssub.s32 s0, s25;
	s19 =	sand.u32 $0x70, s11;
	s3 =	sadd.s32 s3, s17  }
0xf: {  	s26 =	sshll.u32 s5, $0xB;
	s25 =	simm.s32 $0x2900;
	s5 =	simm.s32 $0x6180  }
0x10: {  	s8 =	sand.u32 $0x7FFFFC00, s6;
	s6 =	simm.s32 $0x0;
	s12 =	sadd.s32 $0x8000, s3  }
0x11: {  	v4 =	vlaneseq.u32;
	s18 =	smax.u32 s0, $0x1;
	s3 =	simm.s32 $0x4980;
	s0 =	simm.s32 $0x5180  }
0x12: {  	v0 =	vor.u32 s19, v4;
	s19 =	simm.s32 $0x80;
	s7 =	sor.u32 s7, s8;
	[smem:$0x7FF] =	sst s6  }
.Ltmp0:
0x13: {  	s8 =	sadd.s32 $0x100, s10;
	s7 =	sshrl.u32 s7, $0x3;
	(pc) =	sbr.rel .LBB2_1-.Ltmp0, $4  }
0x14: {  	s10 =	sadd.s32 $0x300, s10;
	_ =	strace $0x80000047;
	s13 =	sadd.s32 s7, s2  }
0x15: {  	s2 =	sadd.s32 s24, s2;
	s7 =	sadd.s32 $0xC00, s23;
	s23 =	simm.s32 $0x0  }
0x16: {  	vm0 =	vmmov $0xffff;
	v3 =	vshrl.u32 v4, $0x3;
	s11 =	sadd.s32 $0xD000, s2;
	s13 =	sadd.s32 $0xE00, s13;
	s2 =	sand.u32 $0x1FFFF800, s26  }
0x17: {  	v2 =	vand.u32 $0x7, v4;
	v3 =	vmul.u32 $0x8, v3;
	v4 =	vor.u32 $0x8, v4;
	s26 =	simm.s32 $0x3100;
	s17 =	sadd.s32 s17, s2;
	s2 =	simm.s32 $0x5980  }
.LBB2_2:
0x18: {  	s24 =	simm.s32 $0x880  }
0x19: {  	[tilespmem:s24], [sflag:$0x3] =	stream.linear.gather [hbm4b:s13+s6], $0x80, $0x38;
	[tilespmem:$0x6980] =	vst v63  }
0x1a: {  	_ =	swait.ge [sflag:s20], $0x80  }
0x1b: {  	[sflag:s20] =	ssyncset.done $0x0  }
0x1c: {  	[sflag:s20] =	ssyncadd.s32 $0xFFFFFF80  }
0x1d: {  	v5 =	vld [tilespmem:$0x880];
	_ =	sdelay $0x4  }
0x1e: {  	v6 =	vshll.u32 v5, $0x3  }
0x1f: {  	v5 =	vand.u32 $0x7, v5;
	v6 =	vand.u32 $0xFFFFFFC0, v6  }
0x20: {  	v5 =	vor.u32 v5, v6  }
0x21: {  	v6 =	vperm.xlane v5, v2;
	_ =	sdelay $0x1  }
0x22: {  	v6 =	vadd.s32 v3, v6;
	_ =	sdelay $0x4  }
0x23: {  	[tilespmem:s21], [sflag:$0x1] =	stream.indirect_vreg.gather [hbm4b:s4+s6], $0x80, v6, vm0, $0xb8;
	[tilespmem:$0x6980] =	vst v63  }
0x24: {  	s24 =	simm.s32 $0x1100;
	v5 =	vperm.xlane v5, v4  }
0x25: {  	[tilespmem:s24], [sflag:$0x1] =	stream.indirect_vreg.gather [hbm4b:s14+s6], $0x80, v6, vm0, $0xb8;
	[tilespmem:$0x6980] =	vst v63  }
0x26: {  	v5 =	vadd.s32 v3, v5;
	s24 =	simm.s32 $0x1900  }
0x27: {  	[tilespmem:s24], [sflag:$0x1] =	stream.indirect_vreg.gather [hbm4b:s15+s6], $0x80, v6, vm0, $0xb8;
	[tilespmem:$0x6980] =	vst v63  }
0x28: {  	s24 =	simm.s32 $0x2100  }
0x29: {  	[tilespmem:s24], [sflag:$0x1] =	stream.indirect_vreg.gather [hbm4b:s16+s6], $0x80, v6, vm0, $0xb8;
	[tilespmem:$0x6980] =	vst v63  }
0x2a: {  	_ = 	snop  }
0x2b: {  	[tilespmem:s25], [sflag:$0x1] =	stream.indirect_vreg.gather [hbm4b:s4+s6], $0x80, v5, vm0, $0xb8;
	[tilespmem:$0x6980] =	vst v63  }
0x2c: {  	_ = 	snop  }
0x2d: {  	[tilespmem:s26], [sflag:$0x1] =	stream.indirect_vreg.gather [hbm4b:s14+s6], $0x80, v5, vm0, $0xb8;
	[tilespmem:$0x6980] =	vst v63  }
0x2e: {  	_ = 	snop  }
0x2f: {  	[tilespmem:s28], [sflag:$0x1] =	stream.indirect_vreg.gather [hbm4b:s15+s6], $0x80, v5, vm0, $0xb8;
	[tilespmem:$0x6980] =	vst v63  }
0x30: {  	_ = 	snop  }
0x31: {  	[tilespmem:s29], [sflag:$0x1] =	stream.indirect_vreg.gather [hbm4b:s16+s6], $0x80, v5, vm0, $0xb8;
	[tilespmem:$0x6980] =	vst v63  }
0x32: {  	_ =	swait.ge [sflag:s30], $0x4000  }
0x33: {  	[sflag:s30] =	ssyncset.done $0x0  }
0x34: {  	[sflag:s30] =	ssyncadd.s32 $0xFFFFC000  }
0x35: {  	[hbm4b:s17+s6] =	stream.linear.scatter [tilespmem:s21], [sflag:$0x3], $0x4000, $0x38;
	[tilespmem:$0x6980] =	vst v63  }
0x36: {  	_ =	swait.ge [sflag:s20], $0x4000  }
0x37: {  	[sflag:s20] =	ssyncset.done $0x0  }
0x38: {  	[sflag:s20] =	ssyncadd.s32 $0xFFFFC000  }
.LBB2_6:
0x39: {  	s23 =	sadd.s32 $0x1, s23  }
0x3a: {  	p1 =	sne.s32 s23, s18  }
.Ltmp1:
0x3b: {  	_ = 	snop;
	(pc) =	sbr.rel @!p1 .LBB2_7-.Ltmp1, $1  }
0x3c: {  	_ =	sdelay $0x3  }
.LBB2_1:
.Ltmp2:
0x3d: {  	(pc) =	sbr.rel @!p0 .LBB2_2-.Ltmp2, $1  }
0x3e: {  	_ =	sdelay $0x3  }
0x3f: {  	[tilespmem:s31], [sflag:$0x3] =	stream.linear.gather [hbm4b:s7+s6], $0x80, $0x38;
	[tilespmem:$0x6980] =	vst v63  }
0x40: {  	_ =	swait.ge [sflag:s20], $0x80  }
0x41: {  	[sflag:s20] =	ssyncset.done $0x0  }
0x42: {  	[sflag:s20] =	ssyncadd.s32 $0xFFFFFF80  }
0x43: {  	v5 =	vld.msk [tilespmem:$0x4900], $0xff;
	_ =	sdelay $0x4  }
0x44: {  	v6 =	vshll.u32 v5, $0x3  }
0x45: {  	v5 =	vand.u32 $0x7, v5;
	v6 =	vand.u32 $0xFFFFFFC0, v6  }
0x46: {  	v5 =	vor.u32 v5, v6  }
0x47: {  	v5 =	vperm.xlane v5, v2;
	_ =	sdelay $0x1  }
0x48: {  	v8 =	vadd.s32 v3, v5;
	_ =	sdelay $0x3  }
0x49: {  	s24 =	rddreg [dreg:$0x4]  }
0x4a: {  	[tilespmem:s3], [sflag:$0x2] =	stream.indirect_vreg.gather [hbm4b:s24+s6], $0x80, v8, vm0, $0xb8;
	[tilespmem:$0x6980] =	vst v63  }
0x4b: {  	v6 =	vimm.s32 $0x10000;
	v5 =	vimm.s32 $0x0  }
0x4c: {  	v7 =	vadd.s32 v5, v6;
	[tilespmem:s0], [sflag:$0x2] =	stream.indirect_vreg.gather [hbm4b:s8+s6], $0x80, v8, vm0, $0xb8;
	[tilespmem:$0x6980] =	vst v63  }
0x4d: {  	v7 =	vshra.s32 v7, $0x1  }
0x4e: {  	[tilespmem:s2], [sflag:$0x2] =	stream.indirect_vreg.gather [hbm4b:s9+s6], $0x80, v8, vm0, $0xb8;
	[tilespmem:$0x6980] =	vst v63  }
0x4f: {  	_ = 	snop  }
0x50: {  	[tilespmem:s5], [sflag:$0x2] =	stream.indirect_vreg.gather [hbm4b:s10+s6], $0x80, v8, vm0, $0xb8;
	[tilespmem:$0x6980] =	vst v63  }
0x51: {  	_ = 	snop  }
0x52: {  	[tilespmem:s6], [sflag:$0x1] =	stream.indirect_vreg.gather [hbm4b:s1+s6], $0x1, v7, vm0, $0xb8;
	[tilespmem:$0x6980] =	vst v63  }
0x53: {  	_ =	swait.ge [sflag:s30], $0x10  }
0x54: {  	[sflag:s30] =	ssyncset.done $0x0  }
0x55: {  	[sflag:s30] =	ssyncadd.s32 $0xFFFFFFF0  }
0x56: {  	v8 =	vld [tilespmem:$0x0];
	_ =	sdelay $0x4  }
0x57: {  	s24 =	simm.s32 $0xF;
	vm1 =	vlt.s32 v8, v0;
	v8 =	vadd.s32 $0x1, v7  }
.LBB2_4:
0x58: {  	p1 =	sne.s32 s24, $0x1;
	s24 =	sadd.s32 $0xFFFFFFFF, s24;
	v5 =	vsel vm1, v8, v5;
	v6 =	vsel vm1, v6, v7  }
0x59: {  	v7 =	vadd.s32 v5, v6  }
0x5a: {  	v7 =	vshra.s32 v7, $0x1;
	_ =	sdelay $0x4  }
0x5b: {  	[tilespmem:s6], [sflag:$0x1] =	stream.indirect_vreg.gather [hbm4b:s1+s6], $0x1, v7, vm0, $0xb8;
	[tilespmem:$0x6980] =	vst v63  }
0x5c: {  	_ =	swait.ge [sflag:s30], $0x10  }
0x5d: {  	[sflag:s30] =	ssyncset.done $0x0  }
0x5e: {  	[sflag:s30] =	ssyncadd.s32 $0xFFFFFFF0  }
0x5f: {  	v8 =	vld [tilespmem:$0x0]  }
.Ltmp3:
0x60: {  	(pc) =	sbr.rel @p1 .LBB2_4-.Ltmp3, $2  }
0x61: {  	_ =	sdelay $0x2  }
0x62: {  	vm1 =	vlt.s32 v8, v0;
	v8 =	vadd.s32 $0x1, v7  }
0x63: {  	v5 =	vsel vm1, v8, v5  }
0x64: {  	v5 =	vadd.s32 v1, v5  }
0x65: {  	vm1 =	vlt.s32 v5, $0xFFFF  }
0x66: {  	v5 =	vnsel vm1, $0xFFFF, v5;
	_ =	sdelay $0x3  }
0x67: {  	s24 =	rddreg [dreg:$0x2]  }
0x68: {  	[tilespmem:s19], [sflag:$0x1] =	stream.indirect_vreg.gather [hbm4b:s24+s6], $0x80, v5, vm0, $0xb8;
	[tilespmem:$0x6980] =	vst v63  }
0x69: {  	_ =	swait.ge [sflag:s30], $0x800  }
0x6a: {  	[sflag:s30] =	ssyncset.done $0x0  }
0x6b: {  	[sflag:s30] =	ssyncadd.s32 $0xFFFFF800  }
0x6c: {  	[hbm4b:s11+s6] =	stream.linear.scatter [tilespmem:s19], [sflag:$0x3], $0x800, $0x38;
	[tilespmem:$0x6980] =	vst v63  }
0x6d: {  	_ =	swait.ge [sflag:s20], $0x800  }
0x6e: {  	[sflag:s20] =	ssyncset.done $0x0  }
0x6f: {  	[sflag:s20] =	ssyncadd.s32 $0xFFFFF800  }
0x70: {  	_ =	swait.ge [sflag:s22], $0x2000  }
0x71: {  	[sflag:s22] =	ssyncset.done $0x0  }
.Ltmp4:
0x72: {  	[sflag:s22] =	ssyncadd.s32 $0xFFFFE000;
	(pc) =	sbr.rel .LBB2_6-.Ltmp4, $4  }
0x73: {  	[hbm4b:s12+s6] =	stream.linear.scatter [tilespmem:s3], [sflag:$0x3], $0x2000, $0x38;
	[tilespmem:$0x6980] =	vst v63  }
0x74: {  	_ =	swait.ge [sflag:s20], $0x2000  }
0x75: {  	[sflag:s20] =	ssyncset.done $0x0  }
0x76: {  	[sflag:s20] =	ssyncadd.s32 $0xFFFFE000  }
.LBB2_7:
0x77: {  	_ =	sfence.sel $0x180000  }
0x78: {  	[bflag:$0x0] =	sbarrier.arrive $0xFFFF  }
0x79: {  	_ =	strace $0x90000047  }
0x7a: {  	s0 =	stileid.u32;
	[bflag:$0x2] =	sbarrier.arrive $0xFFFF  }
0x7b: {  	p0 =	sne.s32 s0, $0x0;
	s0 =	rddreg [dreg:$0x5]  }
0x7c: {  	s0 =	sadd.s32 @!p0 $0x100000, s0  }
0x7d: {  	[sflag:s0] =	ssyncadd.tile.s32 @!p0 $0x1;
	_ =	shalt  }
.Lfunc_end2:
_tile_overlayer_lowered:
.L_overlay_start_2:
0x7e: {  	(tag) =	ssettag $0x2  }
0x7f: {  	s0 =	rddreg [dreg:$0x0];
	s2 =	stileid.u32  }
0x80: {  	s1 =	rddreg [dreg:$0x1];
	p0 =	sne.s32 s2, $0x0  }
0x81: {  	s3 =	rddreg [dreg:$0x2];
	[bflag:$0x3] =	sbarrier.arrive $0xFFFF;
	s2 =	simm.s32 @!p0 $0x1C03  }
0x82: {  	[timem:s3], [sflag:s2] =	dma.local @!p0 [hbm:s0], s1  }
0x83: {  	s0 =	simm.s32 @!p0 $0x3  }
0x84: {  	_ =	swait.ge @!p0 [sflag:s0], s1  }
0x85: {  	s1 =	ssub.s32 @!p0 $0x0, s1;
	[sflag:s0] =	ssyncset.done @!p0 $0x0  }
0x86: {  	[sflag:s0] =	ssyncadd.s32 @!p0 s1  }
0x87: {  	[bflag:$0x3] =	sbarrier.arrive $0xFFFF  }
0x88: {  	_ =	shalt  }

</sc_bundles>
